<compile_context>
chip_gen: v7x
topology: tpu7x:2x2x1
jax: 0.10.2.dev20260603
libtpu: 0.0.44.dev20260713+nightly
codegen_flags: <defaults>
</compile_context>

<pallas_src>
import jax
import jax.numpy as jnp
from jax import lax
from jax.experimental import pallas as pl
from jax.experimental.pallas import tpu as pltpu
from jax.experimental.pallas import tpu_sc as plsc

VOCAB = 100000
DIM = 128
MAX_DELTAS = 4
NTOK = 8192

NUM_CORES = 2
NUM_SUBCORES = 16
NW = NUM_CORES * NUM_SUBCORES
TPW = NTOK // NW
CHUNK = 128
NCH = TPW // CHUNK
LANES = 16


def _body(x_hbm, ind_hbm, w_hbm, d_hbm, out_hbm,
          x_v, ind_v, didx_v, buf, sem_x, sem_i, sem_a, sem_b, sem_o):
    wid = lax.axis_index("s") * NUM_CORES + lax.axis_index("c")
    base = wid * TPW

    cp_x = pltpu.async_copy(x_hbm.at[pl.ds(base, TPW)], x_v, sem_x)
    cp_i = pltpu.async_copy(ind_hbm.at[pl.ds(base, TPW)], ind_v, sem_i)

    cp_x.wait()
    cps_a = [
        pltpu.async_copy(
            w_hbm.at[x_v.at[pl.ds(c * CHUNK, CHUNK)]], buf.at[c], sem_a)
        for c in range(NCH)
    ]

    cp_i.wait()
    for j in range(TPW // LANES):
        sl = pl.ds(j * LANES, LANES)
        didx_v[sl] = ind_v[sl] * VOCAB + x_v[sl]

    cps_b = []
    for c in range(NCH):
        cps_a[c].wait()
        cps_b.append(pltpu.async_copy(
            d_hbm.at[didx_v.at[pl.ds(c * CHUNK, CHUNK)]], buf.at[c], sem_b,
            add=True))
    cps_o = []
    for c in range(NCH):
        cps_b[c].wait()
        cps_o.append(pltpu.async_copy(
            buf.at[c], out_hbm.at[pl.ds(base + c * CHUNK, CHUNK)], sem_o))
    for c in range(NCH):
        cps_o[c].wait()


@jax.jit
def _run(x, indices, weight, dflat):
    mesh = plsc.VectorSubcoreMesh(
        core_axis_name="c", subcore_axis_name="s",
        num_cores=NUM_CORES, num_subcores=NUM_SUBCORES)
    f = pl.kernel(
        _body,
        out_type=jax.ShapeDtypeStruct((NTOK, DIM), jnp.float32),
        mesh=mesh,
        scratch_types=[
            pltpu.VMEM((TPW,), jnp.int32),
            pltpu.VMEM((TPW,), jnp.int32),
            pltpu.VMEM((TPW,), jnp.int32),
            pltpu.VMEM((NCH, CHUNK, DIM), jnp.float32),
            pltpu.SemaphoreType.DMA,
            pltpu.SemaphoreType.DMA,
            pltpu.SemaphoreType.DMA,
            pltpu.SemaphoreType.DMA,
            pltpu.SemaphoreType.DMA,
        ],
    )
    return f(x, indices, weight, dflat)


def kernel(x, indices, weight, delta_weights):
    dflat = delta_weights.reshape(MAX_DELTAS * VOCAB, DIM)
    return _run(x, indices, weight, dflat)

# --- scband reference (transcript-rebuilt; emitter-appended) ---
"""Pipeline reference for scband-vocab-parallel-embedding-with-delta-28973849379098 (READ-ONLY COPY).

The authoritative reference and input builder live on the scoring server;
editing this copy changes nothing except your own understanding.
"""

import jax, jax.numpy as jnp
import numpy as np

VOCAB = 100000
DIM = 128
MAX_DELTAS = 4
NTOK = 8192


def setup_inputs(seed: int = 0) -> dict:
    key = jax.random.key(seed)
    k1, k2, k3, k4 = jax.random.split(key, 4)
    x = jax.random.randint(k1, (NTOK,), 0, VOCAB, dtype=jnp.int32)
    indices = jax.random.randint(k2, (NTOK,), 0, MAX_DELTAS, dtype=jnp.int32)
    weight = jax.random.normal(k3, (VOCAB, DIM), dtype=jnp.float32)
    delta_weights = jax.random.normal(k4, (MAX_DELTAS, VOCAB, DIM), dtype=jnp.float32) * 0.01
    return {"x": x, "indices": indices, "weight": weight, "delta_weights": delta_weights}


def reference(x, indices, weight, delta_weights):
    # tp_size == 1: masked_input = x (no vocab-range masking needed)
    # base embedding lookup: F.embedding(masked_input, weight)
    base = jnp.take(weight, x, axis=0)
    # apply_delta_embed: per-token delta-slot gather from the delta tables,
    # added onto the base embedding output
    delta = delta_weights[indices, x, :]
    output_parallel = base + delta
    # tensor_model_parallel_all_reduce is identity on a single device
    return output_parallel

if __name__ == "__main__":
    import jax
    _d = setup_inputs()
    print(jax.jit(kernel)(*tuple(_d.values())))

</pallas_src>

<mosaic_0001>
#map = affine_map<(d0, d1) -> (0)>
#map1 = affine_map<(d0, d1) -> (0, 0)>
module attributes {stable_mosaic.version = 14 : i64} {
  func.func @_body(%arg0: i32, %arg1: i32, %arg2: memref<8192xi32, #tpu.memory_space<hbm>>, %arg3: memref<8192xi32, #tpu.memory_space<hbm>>, %arg4: memref<100000x128xf32, #tpu.memory_space<hbm>>, %arg5: memref<400000x128xf32, #tpu.memory_space<hbm>>, %arg6: memref<8192x128xf32, #tpu.memory_space<hbm>>, %arg7: memref<256xi32, #tpu.memory_space<vmem>>, %arg8: memref<256xi32, #tpu.memory_space<vmem>>, %arg9: memref<256xi32, #tpu.memory_space<vmem>>, %arg10: memref<2x128x128xf32, #tpu.memory_space<vmem>>, %arg11: memref<!tpu.dma_semaphore, #tpu.memory_space<semaphore_mem>>, %arg12: memref<!tpu.dma_semaphore, #tpu.memory_space<semaphore_mem>>, %arg13: memref<!tpu.dma_semaphore, #tpu.memory_space<semaphore_mem>>, %arg14: memref<!tpu.dma_semaphore, #tpu.memory_space<semaphore_mem>>, %arg15: memref<!tpu.dma_semaphore, #tpu.memory_space<semaphore_mem>>) attributes {dimension_semantics = [#tpu.dimension_semantics<core_parallel>, #tpu.dimension_semantics<subcore_parallel>], iteration_bounds = array<i64: 2, 16>, scalar_prefetch = 0 : i64, scratch_operands = 9 : i64, tpu.core_type = #tpu.core_type<sc_vector_subcore>, window_params = [{transform_indices = #map}, {transform_indices = #map}, {transform_indices = #map1}, {transform_indices = #map1}, {transform_indices = #map1}]} {
    %mul3A = arith.constant 2 : i32
    %mul3A_0 = arith.muli %arg1, %mul3A : i32
    %add3A = arith.addi %mul3A_0, %arg0 : i32
    %mul3A_1 = arith.constant 256 : i32
    %mul3A_2 = arith.muli %add3A, %mul3A_1 : i32
    %dma_start3A = tpu.memref_slice %arg2[%mul3A_2] : memref<8192xi32, #tpu.memory_space<hbm>> -> memref<256xi32, #tpu.memory_space<hbm>>
    %dma_start3A_3 = tpu.memref_slice %arg2[%mul3A_2] : memref<8192xi32, #tpu.memory_space<hbm>> -> memref<256xi32, #tpu.memory_space<hbm>>
    tpu.enqueue_dma source(%dma_start3A_3 : memref<256xi32, #tpu.memory_space<hbm>>) target(%arg7 : memref<256xi32, #tpu.memory_space<vmem>>) target_semaphore(%arg11 : memref<!tpu.dma_semaphore, #tpu.memory_space<semaphore_mem>>)
    %dma_start3A_4 = tpu.memref_slice %arg3[%mul3A_2] : memref<8192xi32, #tpu.memory_space<hbm>> -> memref<256xi32, #tpu.memory_space<hbm>>
    %dma_start3A_5 = tpu.memref_slice %arg3[%mul3A_2] : memref<8192xi32, #tpu.memory_space<hbm>> -> memref<256xi32, #tpu.memory_space<hbm>>
    tpu.enqueue_dma source(%dma_start3A_5 : memref<256xi32, #tpu.memory_space<hbm>>) target(%arg8 : memref<256xi32, #tpu.memory_space<vmem>>) target_semaphore(%arg12 : memref<!tpu.dma_semaphore, #tpu.memory_space<semaphore_mem>>)
    %dma_wait3A = tpu.memref_slice %arg2[%mul3A_2] : memref<8192xi32, #tpu.memory_space<hbm>> -> memref<256xi32, #tpu.memory_space<hbm>>
    %dma_wait3A_6 = tpu.memref_slice %arg2[%mul3A_2] : memref<8192xi32, #tpu.memory_space<hbm>> -> memref<256xi32, #tpu.memory_space<hbm>>
    tpu.wait_dma2 semaphore(%arg11 : memref<!tpu.dma_semaphore, #tpu.memory_space<semaphore_mem>>) src(%dma_wait3A_6 : memref<256xi32, #tpu.memory_space<hbm>>) dst(%arg7 : memref<256xi32, #tpu.memory_space<vmem>>)
    %dma_start3A_7 = arith.constant 0 : i32
    %dma_start3A_8 = arith.constant 0 : i32
    %dma_start3A_9 = arith.constant 0 : i32
    %dma_start3A_10 = tpu.memref_slice %arg10[%dma_start3A_7, %dma_start3A_8, %dma_start3A_9] : memref<2x128x128xf32, #tpu.memory_space<vmem>> -> memref<1x128x128xf32, #tpu.memory_space<vmem>>
    %dma_start3A_11 = tpu.memref_squeeze %dma_start3A_10 : memref<1x128x128xf32, #tpu.memory_space<vmem>> -> memref<128x128xf32, #tpu.memory_space<vmem>>
    %dma_start3A_12 = arith.constant 0 : i32
    %dma_start3A_13 = tpu.memref_slice %arg7[%dma_start3A_12] : memref<256xi32, #tpu.memory_space<vmem>> -> memref<128xi32, #tpu.memory_space<vmem>>
    %dma_start3A_14 = arith.constant 0 : i32
    %dma_start3A_15 = arith.constant 0 : i32
    %dma_start3A_16 = tpu.memref_slice %arg4[%dma_start3A_14, %dma_start3A_15] : memref<100000x128xf32, #tpu.memory_space<hbm>> -> memref<100000x128xf32, #tpu.memory_space<hbm>>
    tpu.enqueue_indirect_dma source(%dma_start3A_16 : memref<100000x128xf32, #tpu.memory_space<hbm>>) target(%dma_start3A_11 : memref<128x128xf32, #tpu.memory_space<vmem>>) offsets(%dma_start3A_13 : memref<128xi32, #tpu.memory_space<vmem>>) semaphore(%arg13 : memref<!tpu.dma_semaphore, #tpu.memory_space<semaphore_mem>>)
    %dma_start3A_17 = arith.constant 1 : i32
    %dma_start3A_18 = arith.constant 0 : i32
    %dma_start3A_19 = arith.constant 0 : i32
    %dma_start3A_20 = tpu.memref_slice %arg10[%dma_start3A_17, %dma_start3A_18, %dma_start3A_19] : memref<2x128x128xf32, #tpu.memory_space<vmem>> -> memref<1x128x128xf32, #tpu.memory_space<vmem>>
    %dma_start3A_21 = tpu.memref_squeeze %dma_start3A_20 : memref<1x128x128xf32, #tpu.memory_space<vmem>> -> memref<128x128xf32, #tpu.memory_space<vmem>>
    %dma_start3A_22 = arith.constant 128 : i32
    %dma_start3A_23 = tpu.memref_slice %arg7[%dma_start3A_22] : memref<256xi32, #tpu.memory_space<vmem>> -> memref<128xi32, #tpu.memory_space<vmem>>
    %dma_start3A_24 = arith.constant 0 : i32
    %dma_start3A_25 = arith.constant 0 : i32
    %dma_start3A_26 = tpu.memref_slice %arg4[%dma_start3A_24, %dma_start3A_25] : memref<100000x128xf32, #tpu.memory_space<hbm>> -> memref<100000x128xf32, #tpu.memory_space<hbm>>
    tpu.enqueue_indirect_dma source(%dma_start3A_26 : memref<100000x128xf32, #tpu.memory_space<hbm>>) target(%dma_start3A_21 : memref<128x128xf32, #tpu.memory_space<vmem>>) offsets(%dma_start3A_23 : memref<128xi32, #tpu.memory_space<vmem>>) semaphore(%arg13 : memref<!tpu.dma_semaphore, #tpu.memory_space<semaphore_mem>>)
    %dma_wait3A_27 = tpu.memref_slice %arg3[%mul3A_2] : memref<8192xi32, #tpu.memory_space<hbm>> -> memref<256xi32, #tpu.memory_space<hbm>>
    %dma_wait3A_28 = tpu.memref_slice %arg3[%mul3A_2] : memref<8192xi32, #tpu.memory_space<hbm>> -> memref<256xi32, #tpu.memory_space<hbm>>
    tpu.wait_dma2 semaphore(%arg12 : memref<!tpu.dma_semaphore, #tpu.memory_space<semaphore_mem>>) src(%dma_wait3A_28 : memref<256xi32, #tpu.memory_space<hbm>>) dst(%arg8 : memref<256xi32, #tpu.memory_space<vmem>>)
    %get3A = arith.constant 0 : index
    %get3A_29 = tpu.vector_load %arg8[%get3A] {strides = array<i32>} : memref<256xi32, #tpu.memory_space<vmem>>, vector<16xi32>,
    %get3A_30 = vector.shape_cast %get3A_29 : vector<16xi32> to vector<16xi32>
    %mul3A_31 = arith.constant 100000 : i32
    %mul3A_32 = vector.broadcast %mul3A_31 : i32 to vector<16xi32>
    %mul3A_33 = arith.muli %get3A_30, %mul3A_32 : vector<16xi32>
    %get3A_34 = arith.constant 0 : index
    %get3A_35 = tpu.vector_load %arg7[%get3A_34] {strides = array<i32>} : memref<256xi32, #tpu.memory_space<vmem>>, vector<16xi32>,
    %get3A_36 = vector.shape_cast %get3A_35 : vector<16xi32> to vector<16xi32>
    %add3A_37 = arith.addi %mul3A_33, %get3A_36 : vector<16xi32>
    %swap3A = arith.constant 0 : index
    %swap3A_38 = tpu.vector_load %arg9[%swap3A] {strides = array<i32>} : memref<256xi32, #tpu.memory_space<vmem>>, vector<16xi32>,
    %swap3A_39 = vector.shape_cast %swap3A_38 : vector<16xi32> to vector<16xi32>
    %swap3A_40 = vector.shape_cast %add3A_37 : vector<16xi32> to vector<16xi32>
    tpu.vector_store %arg9[%swap3A], %swap3A_40 {strides = array<i32>} : memref<256xi32, #tpu.memory_space<vmem>>, vector<16xi32>,
    %get3A_41 = arith.constant 16 : index
    %get3A_42 = tpu.vector_load %arg8[%get3A_41] {strides = array<i32>} : memref<256xi32, #tpu.memory_space<vmem>>, vector<16xi32>,
    %get3A_43 = vector.shape_cast %get3A_42 : vector<16xi32> to vector<16xi32>
    %mul3A_44 = arith.constant 100000 : i32
    %mul3A_45 = vector.broadcast %mul3A_44 : i32 to vector<16xi32>
    %mul3A_46 = arith.muli %get3A_43, %mul3A_45 : vector<16xi32>
    %get3A_47 = arith.constant 16 : index
    %get3A_48 = tpu.vector_load %arg7[%get3A_47] {strides = array<i32>} : memref<256xi32, #tpu.memory_space<vmem>>, vector<16xi32>,
    %get3A_49 = vector.shape_cast %get3A_48 : vector<16xi32> to vector<16xi32>
    %add3A_50 = arith.addi %mul3A_46, %get3A_49 : vector<16xi32>
    %swap3A_51 = arith.constant 16 : index
    %swap3A_52 = tpu.vector_load %arg9[%swap3A_51] {strides = array<i32>} : memref<256xi32, #tpu.memory_space<vmem>>, vector<16xi32>,
    %swap3A_53 = vector.shape_cast %swap3A_52 : vector<16xi32> to vector<16xi32>
    %swap3A_54 = vector.shape_cast %add3A_50 : vector<16xi32> to vector<16xi32>
    tpu.vector_store %arg9[%swap3A_51], %swap3A_54 {strides = array<i32>} : memref<256xi32, #tpu.memory_space<vmem>>, vector<16xi32>,
    %get3A_55 = arith.constant 32 : index
    %get3A_56 = tpu.vector_load %arg8[%get3A_55] {strides = array<i32>} : memref<256xi32, #tpu.memory_space<vmem>>, vector<16xi32>,
    %get3A_57 = vector.shape_cast %get3A_56 : vector<16xi32> to vector<16xi32>
    %mul3A_58 = arith.constant 100000 : i32
    %mul3A_59 = vector.broadcast %mul3A_58 : i32 to vector<16xi32>
    %mul3A_60 = arith.muli %get3A_57, %mul3A_59 : vector<16xi32>
    %get3A_61 = arith.constant 32 : index
    %get3A_62 = tpu.vector_load %arg7[%get3A_61] {strides = array<i32>} : memref<256xi32, #tpu.memory_space<vmem>>, vector<16xi32>,
    %get3A_63 = vector.shape_cast %get3A_62 : vector<16xi32> to vector<16xi32>
    %add3A_64 = arith.addi %mul3A_60, %get3A_63 : vector<16xi32>
    %swap3A_65 = arith.constant 32 : index
    %swap3A_66 = tpu.vector_load %arg9[%swap3A_65] {strides = array<i32>} : memref<256xi32, #tpu.memory_space<vmem>>, vector<16xi32>,
    %swap3A_67 = vector.shape_cast %swap3A_66 : vector<16xi32> to vector<16xi32>
    %swap3A_68 = vector.shape_cast %add3A_64 : vector<16xi32> to vector<16xi32>
    tpu.vector_store %arg9[%swap3A_65], %swap3A_68 {strides = array<i32>} : memref<256xi32, #tpu.memory_space<vmem>>, vector<16xi32>,
    %get3A_69 = arith.constant 48 : index
    %get3A_70 = tpu.vector_load %arg8[%get3A_69] {strides = array<i32>} : memref<256xi32, #tpu.memory_space<vmem>>, vector<16xi32>,
    %get3A_71 = vector.shape_cast %get3A_70 : vector<16xi32> to vector<16xi32>
    %mul3A_72 = arith.constant 100000 : i32
    %mul3A_73 = vector.broadcast %mul3A_72 : i32 to vector<16xi32>
    %mul3A_74 = arith.muli %get3A_71, %mul3A_73 : vector<16xi32>
    %get3A_75 = arith.constant 48 : index
    %get3A_76 = tpu.vector_load %arg7[%get3A_75] {strides = array<i32>} : memref<256xi32, #tpu.memory_space<vmem>>, vector<16xi32>,
    %get3A_77 = vector.shape_cast %get3A_76 : vector<16xi32> to vector<16xi32>
    %add3A_78 = arith.addi %mul3A_74, %get3A_77 : vector<16xi32>
    %swap3A_79 = arith.constant 48 : index
    %swap3A_80 = tpu.vector_load %arg9[%swap3A_79] {strides = array<i32>} : memref<256xi32, #tpu.memory_space<vmem>>, vector<16xi32>,
    %swap3A_81 = vector.shape_cast %swap3A_80 : vector<16xi32> to vector<16xi32>
    %swap3A_82 = vector.shape_cast %add3A_78 : vector<16xi32> to vector<16xi32>
    tpu.vector_store %arg9[%swap3A_79], %swap3A_82 {strides = array<i32>} : memref<256xi32, #tpu.memory_space<vmem>>, vector<16xi32>,
    %get3A_83 = arith.constant 64 : index
    %get3A_84 = tpu.vector_load %arg8[%get3A_83] {strides = array<i32>} : memref<256xi32, #tpu.memory_space<vmem>>, vector<16xi32>,
    %get3A_85 = vector.shape_cast %get3A_84 : vector<16xi32> to vector<16xi32>
    %mul3A_86 = arith.constant 100000 : i32
    %mul3A_87 = vector.broadcast %mul3A_86 : i32 to vector<16xi32>
    %mul3A_88 = arith.muli %get3A_85, %mul3A_87 : vector<16xi32>
    %get3A_89 = arith.constant 64 : index
    %get3A_90 = tpu.vector_load %arg7[%get3A_89] {strides = array<i32>} : memref<256xi32, #tpu.memory_space<vmem>>, vector<16xi32>,
    %get3A_91 = vector.shape_cast %get3A_90 : vector<16xi32> to vector<16xi32>
    %add3A_92 = arith.addi %mul3A_88, %get3A_91 : vector<16xi32>
    %swap3A_93 = arith.constant 64 : index
    %swap3A_94 = tpu.vector_load %arg9[%swap3A_93] {strides = array<i32>} : memref<256xi32, #tpu.memory_space<vmem>>, vector<16xi32>,
    %swap3A_95 = vector.shape_cast %swap3A_94 : vector<16xi32> to vector<16xi32>
    %swap3A_96 = vector.shape_cast %add3A_92 : vector<16xi32> to vector<16xi32>
    tpu.vector_store %arg9[%swap3A_93], %swap3A_96 {strides = array<i32>} : memref<256xi32, #tpu.memory_space<vmem>>, vector<16xi32>,
    %get3A_97 = arith.constant 80 : index
    %get3A_98 = tpu.vector_load %arg8[%get3A_97] {strides = array<i32>} : memref<256xi32, #tpu.memory_space<vmem>>, vector<16xi32>,
    %get3A_99 = vector.shape_cast %get3A_98 : vector<16xi32> to vector<16xi32>
    %mul3A_100 = arith.constant 100000 : i32
    %mul3A_101 = vector.broadcast %mul3A_100 : i32 to vector<16xi32>
    %mul3A_102 = arith.muli %get3A_99, %mul3A_101 : vector<16xi32>
    %get3A_103 = arith.constant 80 : index
    %get3A_104 = tpu.vector_load %arg7[%get3A_103] {strides = array<i32>} : memref<256xi32, #tpu.memory_space<vmem>>, vector<16xi32>,
    %get3A_105 = vector.shape_cast %get3A_104 : vector<16xi32> to vector<16xi32>
    %add3A_106 = arith.addi %mul3A_102, %get3A_105 : vector<16xi32>
    %swap3A_107 = arith.constant 80 : index
    %swap3A_108 = tpu.vector_load %arg9[%swap3A_107] {strides = array<i32>} : memref<256xi32, #tpu.memory_space<vmem>>, vector<16xi32>,
    %swap3A_109 = vector.shape_cast %swap3A_108 : vector<16xi32> to vector<16xi32>
    %swap3A_110 = vector.shape_cast %add3A_106 : vector<16xi32> to vector<16xi32>
    tpu.vector_store %arg9[%swap3A_107], %swap3A_110 {strides = array<i32>} : memref<256xi32, #tpu.memory_space<vmem>>, vector<16xi32>,
    %get3A_111 = arith.constant 96 : index
    %get3A_112 = tpu.vector_load %arg8[%get3A_111] {strides = array<i32>} : memref<256xi32, #tpu.memory_space<vmem>>, vector<16xi32>,
    %get3A_113 = vector.shape_cast %get3A_112 : vector<16xi32> to vector<16xi32>
    %mul3A_114 = arith.constant 100000 : i32
    %mul3A_115 = vector.broadcast %mul3A_114 : i32 to vector<16xi32>
    %mul3A_116 = arith.muli %get3A_113, %mul3A_115 : vector<16xi32>
    %get3A_117 = arith.constant 96 : index
    %get3A_118 = tpu.vector_load %arg7[%get3A_117] {strides = array<i32>} : memref<256xi32, #tpu.memory_space<vmem>>, vector<16xi32>,
    %get3A_119 = vector.shape_cast %get3A_118 : vector<16xi32> to vector<16xi32>
    %add3A_120 = arith.addi %mul3A_116, %get3A_119 : vector<16xi32>
    %swap3A_121 = arith.constant 96 : index
    %swap3A_122 = tpu.vector_load %arg9[%swap3A_121] {strides = array<i32>} : memref<256xi32, #tpu.memory_space<vmem>>, vector<16xi32>,
    %swap3A_123 = vector.shape_cast %swap3A_122 : vector<16xi32> to vector<16xi32>
    %swap3A_124 = vector.shape_cast %add3A_120 : vector<16xi32> to vector<16xi32>
    tpu.vector_store %arg9[%swap3A_121], %swap3A_124 {strides = array<i32>} : memref<256xi32, #tpu.memory_space<vmem>>, vector<16xi32>,
    %get3A_125 = arith.constant 112 : index
    %get3A_126 = tpu.vector_load %arg8[%get3A_125] {strides = array<i32>} : memref<256xi32, #tpu.memory_space<vmem>>, vector<16xi32>,
    %get3A_127 = vector.shape_cast %get3A_126 : vector<16xi32> to vector<16xi32>
    %mul3A_128 = arith.constant 100000 : i32
    %mul3A_129 = vector.broadcast %mul3A_128 : i32 to vector<16xi32>
    %mul3A_130 = arith.muli %get3A_127, %mul3A_129 : vector<16xi32>
    %get3A_131 = arith.constant 112 : index
    %get3A_132 = tpu.vector_load %arg7[%get3A_131] {strides = array<i32>} : memref<256xi32, #tpu.memory_space<vmem>>, vector<16xi32>,
    %get3A_133 = vector.shape_cast %get3A_132 : vector<16xi32> to vector<16xi32>
    %add3A_134 = arith.addi %mul3A_130, %get3A_133 : vector<16xi32>
    %swap3A_135 = arith.constant 112 : index
    %swap3A_136 = tpu.vector_load %arg9[%swap3A_135] {strides = array<i32>} : memref<256xi32, #tpu.memory_space<vmem>>, vector<16xi32>,
    %swap3A_137 = vector.shape_cast %swap3A_136 : vector<16xi32> to vector<16xi32>
    %swap3A_138 = vector.shape_cast %add3A_134 : vector<16xi32> to vector<16xi32>
    tpu.vector_store %arg9[%swap3A_135], %swap3A_138 {strides = array<i32>} : memref<256xi32, #tpu.memory_space<vmem>>, vector<16xi32>,
    %get3A_139 = arith.constant 128 : index
    %get3A_140 = tpu.vector_load %arg8[%get3A_139] {strides = array<i32>} : memref<256xi32, #tpu.memory_space<vmem>>, vector<16xi32>,
    %get3A_141 = vector.shape_cast %get3A_140 : vector<16xi32> to vector<16xi32>
    %mul3A_142 = arith.constant 100000 : i32
    %mul3A_143 = vector.broadcast %mul3A_142 : i32 to vector<16xi32>
    %mul3A_144 = arith.muli %get3A_141, %mul3A_143 : vector<16xi32>
    %get3A_145 = arith.constant 128 : index
    %get3A_146 = tpu.vector_load %arg7[%get3A_145] {strides = array<i32>} : memref<256xi32, #tpu.memory_space<vmem>>, vector<16xi32>,
    %get3A_147 = vector.shape_cast %get3A_146 : vector<16xi32> to vector<16xi32>
    %add3A_148 = arith.addi %mul3A_144, %get3A_147 : vector<16xi32>
    %swap3A_149 = arith.constant 128 : index
    %swap3A_150 = tpu.vector_load %arg9[%swap3A_149] {strides = array<i32>} : memref<256xi32, #tpu.memory_space<vmem>>, vector<16xi32>,
    %swap3A_151 = vector.shape_cast %swap3A_150 : vector<16xi32> to vector<16xi32>
    %swap3A_152 = vector.shape_cast %add3A_148 : vector<16xi32> to vector<16xi32>
    tpu.vector_store %arg9[%swap3A_149], %swap3A_152 {strides = array<i32>} : memref<256xi32, #tpu.memory_space<vmem>>, vector<16xi32>,
    %get3A_153 = arith.constant 144 : index
    %get3A_154 = tpu.vector_load %arg8[%get3A_153] {strides = array<i32>} : memref<256xi32, #tpu.memory_space<vmem>>, vector<16xi32>,
    %get3A_155 = vector.shape_cast %get3A_154 : vector<16xi32> to vector<16xi32>
    %mul3A_156 = arith.constant 100000 : i32
    %mul3A_157 = vector.broadcast %mul3A_156 : i32 to vector<16xi32>
    %mul3A_158 = arith.muli %get3A_155, %mul3A_157 : vector<16xi32>
    %get3A_159 = arith.constant 144 : index
    %get3A_160 = tpu.vector_load %arg7[%get3A_159] {strides = array<i32>} : memref<256xi32, #tpu.memory_space<vmem>>, vector<16xi32>,
    %get3A_161 = vector.shape_cast %get3A_160 : vector<16xi32> to vector<16xi32>
    %add3A_162 = arith.addi %mul3A_158, %get3A_161 : vector<16xi32>
    %swap3A_163 = arith.constant 144 : index
    %swap3A_164 = tpu.vector_load %arg9[%swap3A_163] {strides = array<i32>} : memref<256xi32, #tpu.memory_space<vmem>>, vector<16xi32>,
    %swap3A_165 = vector.shape_cast %swap3A_164 : vector<16xi32> to vector<16xi32>
    %swap3A_166 = vector.shape_cast %add3A_162 : vector<16xi32> to vector<16xi32>
    tpu.vector_store %arg9[%swap3A_163], %swap3A_166 {strides = array<i32>} : memref<256xi32, #tpu.memory_space<vmem>>, vector<16xi32>,
    %get3A_167 = arith.constant 160 : index
    %get3A_168 = tpu.vector_load %arg8[%get3A_167] {strides = array<i32>} : memref<256xi32, #tpu.memory_space<vmem>>, vector<16xi32>,
    %get3A_169 = vector.shape_cast %get3A_168 : vector<16xi32> to vector<16xi32>
    %mul3A_170 = arith.constant 100000 : i32
    %mul3A_171 = vector.broadcast %mul3A_170 : i32 to vector<16xi32>
    %mul3A_172 = arith.muli %get3A_169, %mul3A_171 : vector<16xi32>
    %get3A_173 = arith.constant 160 : index
    %get3A_174 = tpu.vector_load %arg7[%get3A_173] {strides = array<i32>} : memref<256xi32, #tpu.memory_space<vmem>>, vector<16xi32>,
    %get3A_175 = vector.shape_cast %get3A_174 : vector<16xi32> to vector<16xi32>
    %add3A_176 = arith.addi %mul3A_172, %get3A_175 : vector<16xi32>
    %swap3A_177 = arith.constant 160 : index
    %swap3A_178 = tpu.vector_load %arg9[%swap3A_177] {strides = array<i32>} : memref<256xi32, #tpu.memory_space<vmem>>, vector<16xi32>,
    %swap3A_179 = vector.shape_cast %swap3A_178 : vector<16xi32> to vector<16xi32>
    %swap3A_180 = vector.shape_cast %add3A_176 : vector<16xi32> to vector<16xi32>
    tpu.vector_store %arg9[%swap3A_177], %swap3A_180 {strides = array<i32>} : memref<256xi32, #tpu.memory_space<vmem>>, vector<16xi32>,
    %get3A_181 = arith.constant 176 : index
    %get3A_182 = tpu.vector_load %arg8[%get3A_181] {strides = array<i32>} : memref<256xi32, #tpu.memory_space<vmem>>, vector<16xi32>,
    %get3A_183 = vector.shape_cast %get3A_182 : vector<16xi32> to vector<16xi32>
    %mul3A_184 = arith.constant 100000 : i32
    %mul3A_185 = vector.broadcast %mul3A_184 : i32 to vector<16xi32>
    %mul3A_186 = arith.muli %get3A_183, %mul3A_185 : vector<16xi32>
    %get3A_187 = arith.constant 176 : index
    %get3A_188 = tpu.vector_load %arg7[%get3A_187] {strides = array<i32>} : memref<256xi32, #tpu.memory_space<vmem>>, vector<16xi32>,
    %get3A_189 = vector.shape_cast %get3A_188 : vector<16xi32> to vector<16xi32>
    %add3A_190 = arith.addi %mul3A_186, %get3A_189 : vector<16xi32>
    %swap3A_191 = arith.constant 176 : index
    %swap3A_192 = tpu.vector_load %arg9[%swap3A_191] {strides = array<i32>} : memref<256xi32, #tpu.memory_space<vmem>>, vector<16xi32>,
    %swap3A_193 = vector.shape_cast %swap3A_192 : vector<16xi32> to vector<16xi32>
    %swap3A_194 = vector.shape_cast %add3A_190 : vector<16xi32> to vector<16xi32>
    tpu.vector_store %arg9[%swap3A_191], %swap3A_194 {strides = array<i32>} : memref<256xi32, #tpu.memory_space<vmem>>, vector<16xi32>,
    %get3A_195 = arith.constant 192 : index
    %get3A_196 = tpu.vector_load %arg8[%get3A_195] {strides = array<i32>} : memref<256xi32, #tpu.memory_space<vmem>>, vector<16xi32>,
    %get3A_197 = vector.shape_cast %get3A_196 : vector<16xi32> to vector<16xi32>
    %mul3A_198 = arith.constant 100000 : i32
    %mul3A_199 = vector.broadcast %mul3A_198 : i32 to vector<16xi32>
    %mul3A_200 = arith.muli %get3A_197, %mul3A_199 : vector<16xi32>
    %get3A_201 = arith.constant 192 : index
    %get3A_202 = tpu.vector_load %arg7[%get3A_201] {strides = array<i32>} : memref<256xi32, #tpu.memory_space<vmem>>, vector<16xi32>,
    %get3A_203 = vector.shape_cast %get3A_202 : vector<16xi32> to vector<16xi32>
    %add3A_204 = arith.addi %mul3A_200, %get3A_203 : vector<16xi32>
    %swap3A_205 = arith.constant 192 : index
    %swap3A_206 = tpu.vector_load %arg9[%swap3A_205] {strides = array<i32>} : memref<256xi32, #tpu.memory_space<vmem>>, vector<16xi32>,
    %swap3A_207 = vector.shape_cast %swap3A_206 : vector<16xi32> to vector<16xi32>
    %swap3A_208 = vector.shape_cast %add3A_204 : vector<16xi32> to vector<16xi32>
    tpu.vector_store %arg9[%swap3A_205], %swap3A_208 {strides = array<i32>} : memref<256xi32, #tpu.memory_space<vmem>>, vector<16xi32>,
    %get3A_209 = arith.constant 208 : index
    %get3A_210 = tpu.vector_load %arg8[%get3A_209] {strides = array<i32>} : memref<256xi32, #tpu.memory_space<vmem>>, vector<16xi32>,
    %get3A_211 = vector.shape_cast %get3A_210 : vector<16xi32> to vector<16xi32>
    %mul3A_212 = arith.constant 100000 : i32
    %mul3A_213 = vector.broadcast %mul3A_212 : i32 to vector<16xi32>
    %mul3A_214 = arith.muli %get3A_211, %mul3A_213 : vector<16xi32>
    %get3A_215 = arith.constant 208 : index
    %get3A_216 = tpu.vector_load %arg7[%get3A_215] {strides = array<i32>} : memref<256xi32, #tpu.memory_space<vmem>>, vector<16xi32>,
    %get3A_217 = vector.shape_cast %get3A_216 : vector<16xi32> to vector<16xi32>
    %add3A_218 = arith.addi %mul3A_214, %get3A_217 : vector<16xi32>
    %swap3A_219 = arith.constant 208 : index
    %swap3A_220 = tpu.vector_load %arg9[%swap3A_219] {strides = array<i32>} : memref<256xi32, #tpu.memory_space<vmem>>, vector<16xi32>,
    %swap3A_221 = vector.shape_cast %swap3A_220 : vector<16xi32> to vector<16xi32>
    %swap3A_222 = vector.shape_cast %add3A_218 : vector<16xi32> to vector<16xi32>
    tpu.vector_store %arg9[%swap3A_219], %swap3A_222 {strides = array<i32>} : memref<256xi32, #tpu.memory_space<vmem>>, vector<16xi32>,
    %get3A_223 = arith.constant 224 : index
    %get3A_224 = tpu.vector_load %arg8[%get3A_223] {strides = array<i32>} : memref<256xi32, #tpu.memory_space<vmem>>, vector<16xi32>,
    %get3A_225 = vector.shape_cast %get3A_224 : vector<16xi32> to vector<16xi32>
    %mul3A_226 = arith.constant 100000 : i32
    %mul3A_227 = vector.broadcast %mul3A_226 : i32 to vector<16xi32>
    %mul3A_228 = arith.muli %get3A_225, %mul3A_227 : vector<16xi32>
    %get3A_229 = arith.constant 224 : index
    %get3A_230 = tpu.vector_load %arg7[%get3A_229] {strides = array<i32>} : memref<256xi32, #tpu.memory_space<vmem>>, vector<16xi32>,
    %get3A_231 = vector.shape_cast %get3A_230 : vector<16xi32> to vector<16xi32>
    %add3A_232 = arith.addi %mul3A_228, %get3A_231 : vector<16xi32>
    %swap3A_233 = arith.constant 224 : index
    %swap3A_234 = tpu.vector_load %arg9[%swap3A_233] {strides = array<i32>} : memref<256xi32, #tpu.memory_space<vmem>>, vector<16xi32>,
    %swap3A_235 = vector.shape_cast %swap3A_234 : vector<16xi32> to vector<16xi32>
    %swap3A_236 = vector.shape_cast %add3A_232 : vector<16xi32> to vector<16xi32>
    tpu.vector_store %arg9[%swap3A_233], %swap3A_236 {strides = array<i32>} : memref<256xi32, #tpu.memory_space<vmem>>, vector<16xi32>,
    %get3A_237 = arith.constant 240 : index
    %get3A_238 = tpu.vector_load %arg8[%get3A_237] {strides = array<i32>} : memref<256xi32, #tpu.memory_space<vmem>>, vector<16xi32>,
    %get3A_239 = vector.shape_cast %get3A_238 : vector<16xi32> to vector<16xi32>
    %mul3A_240 = arith.constant 100000 : i32
    %mul3A_241 = vector.broadcast %mul3A_240 : i32 to vector<16xi32>
    %mul3A_242 = arith.muli %get3A_239, %mul3A_241 : vector<16xi32>
    %get3A_243 = arith.constant 240 : index
    %get3A_244 = tpu.vector_load %arg7[%get3A_243] {strides = array<i32>} : memref<256xi32, #tpu.memory_space<vmem>>, vector<16xi32>,
    %get3A_245 = vector.shape_cast %get3A_244 : vector<16xi32> to vector<16xi32>
    %add3A_246 = arith.addi %mul3A_242, %get3A_245 : vector<16xi32>
    %swap3A_247 = arith.constant 240 : index
    %swap3A_248 = tpu.vector_load %arg9[%swap3A_247] {strides = array<i32>} : memref<256xi32, #tpu.memory_space<vmem>>, vector<16xi32>,
    %swap3A_249 = vector.shape_cast %swap3A_248 : vector<16xi32> to vector<16xi32>
    %swap3A_250 = vector.shape_cast %add3A_246 : vector<16xi32> to vector<16xi32>
    tpu.vector_store %arg9[%swap3A_247], %swap3A_250 {strides = array<i32>} : memref<256xi32, #tpu.memory_space<vmem>>, vector<16xi32>,
    %dma_wait3A_251 = arith.constant 0 : i32
    %dma_wait3A_252 = arith.constant 0 : i32
    %dma_wait3A_253 = arith.constant 0 : i32
    %dma_wait3A_254 = tpu.memref_slice %arg10[%dma_wait3A_251, %dma_wait3A_252, %dma_wait3A_253] : memref<2x128x128xf32, #tpu.memory_space<vmem>> -> memref<1x128x128xf32, #tpu.memory_space<vmem>>
    %dma_wait3A_255 = tpu.memref_squeeze %dma_wait3A_254 : memref<1x128x128xf32, #tpu.memory_space<vmem>> -> memref<128x128xf32, #tpu.memory_space<vmem>>
    %dma_wait3A_256 = arith.constant 0 : i32
    %dma_wait3A_257 = tpu.memref_slice %arg7[%dma_wait3A_256] : memref<256xi32, #tpu.memory_space<vmem>> -> memref<128xi32, #tpu.memory_space<vmem>>
    %dma_wait3A_258 = arith.constant 0 : i32
    %dma_wait3A_259 = arith.constant 0 : i32
    %dma_wait3A_260 = tpu.memref_slice %arg4[%dma_wait3A_258, %dma_wait3A_259] : memref<100000x128xf32, #tpu.memory_space<hbm>> -> memref<100000x128xf32, #tpu.memory_space<hbm>>
    tpu.wait_indirect_dma semaphore(%arg13 : memref<!tpu.dma_semaphore, #tpu.memory_space<semaphore_mem>>) src(%dma_wait3A_260 : memref<100000x128xf32, #tpu.memory_space<hbm>>) dst(%dma_wait3A_255 : memref<128x128xf32, #tpu.memory_space<vmem>>)
    %dma_start3A_261 = arith.constant 0 : i32
    %dma_start3A_262 = arith.constant 0 : i32
    %dma_start3A_263 = arith.constant 0 : i32
    %dma_start3A_264 = tpu.memref_slice %arg10[%dma_start3A_261, %dma_start3A_262, %dma_start3A_263] : memref<2x128x128xf32, #tpu.memory_space<vmem>> -> memref<1x128x128xf32, #tpu.memory_space<vmem>>
    %dma_start3A_265 = tpu.memref_squeeze %dma_start3A_264 : memref<1x128x128xf32, #tpu.memory_space<vmem>> -> memref<128x128xf32, #tpu.memory_space<vmem>>
    %dma_start3A_266 = arith.constant 0 : i32
    %dma_start3A_267 = tpu.memref_slice %arg9[%dma_start3A_266] : memref<256xi32, #tpu.memory_space<vmem>> -> memref<128xi32, #tpu.memory_space<vmem>>
    %dma_start3A_268 = arith.constant 0 : i32
    %dma_start3A_269 = arith.constant 0 : i32
    %dma_start3A_270 = tpu.memref_slice %arg5[%dma_start3A_268, %dma_start3A_269] : memref<400000x128xf32, #tpu.memory_space<hbm>> -> memref<400000x128xf32, #tpu.memory_space<hbm>>
    tpu.enqueue_indirect_dma source(%dma_start3A_270 : memref<400000x128xf32, #tpu.memory_space<hbm>>) target(%dma_start3A_265 : memref<128x128xf32, #tpu.memory_space<vmem>>) offsets(%dma_start3A_267 : memref<128xi32, #tpu.memory_space<vmem>>) semaphore(%arg14 : memref<!tpu.dma_semaphore, #tpu.memory_space<semaphore_mem>>) {add = true}
    %dma_wait3A_271 = arith.constant 1 : i32
    %dma_wait3A_272 = arith.constant 0 : i32
    %dma_wait3A_273 = arith.constant 0 : i32
    %dma_wait3A_274 = tpu.memref_slice %arg10[%dma_wait3A_271, %dma_wait3A_272, %dma_wait3A_273] : memref<2x128x128xf32, #tpu.memory_space<vmem>> -> memref<1x128x128xf32, #tpu.memory_space<vmem>>
    %dma_wait3A_275 = tpu.memref_squeeze %dma_wait3A_274 : memref<1x128x128xf32, #tpu.memory_space<vmem>> -> memref<128x128xf32, #tpu.memory_space<vmem>>
    %dma_wait3A_276 = arith.constant 128 : i32
    %dma_wait3A_277 = tpu.memref_slice %arg7[%dma_wait3A_276] : memref<256xi32, #tpu.memory_space<vmem>> -> memref<128xi32, #tpu.memory_space<vmem>>
    %dma_wait3A_278 = arith.constant 0 : i32
    %dma_wait3A_279 = arith.constant 0 : i32
    %dma_wait3A_280 = tpu.memref_slice %arg4[%dma_wait3A_278, %dma_wait3A_279] : memref<100000x128xf32, #tpu.memory_space<hbm>> -> memref<100000x128xf32, #tpu.memory_space<hbm>>
    tpu.wait_indirect_dma semaphore(%arg13 : memref<!tpu.dma_semaphore, #tpu.memory_space<semaphore_mem>>) src(%dma_wait3A_280 : memref<100000x128xf32, #tpu.memory_space<hbm>>) dst(%dma_wait3A_275 : memref<128x128xf32, #tpu.memory_space<vmem>>)
    %dma_start3A_281 = arith.constant 1 : i32
    %dma_start3A_282 = arith.constant 0 : i32
    %dma_start3A_283 = arith.constant 0 : i32
    %dma_start3A_284 = tpu.memref_slice %arg10[%dma_start3A_281, %dma_start3A_282, %dma_start3A_283] : memref<2x128x128xf32, #tpu.memory_space<vmem>> -> memref<1x128x128xf32, #tpu.memory_space<vmem>>
    %dma_start3A_285 = tpu.memref_squeeze %dma_start3A_284 : memref<1x128x128xf32, #tpu.memory_space<vmem>> -> memref<128x128xf32, #tpu.memory_space<vmem>>
    %dma_start3A_286 = arith.constant 128 : i32
    %dma_start3A_287 = tpu.memref_slice %arg9[%dma_start3A_286] : memref<256xi32, #tpu.memory_space<vmem>> -> memref<128xi32, #tpu.memory_space<vmem>>
    %dma_start3A_288 = arith.constant 0 : i32
    %dma_start3A_289 = arith.constant 0 : i32
    %dma_start3A_290 = tpu.memref_slice %arg5[%dma_start3A_288, %dma_start3A_289] : memref<400000x128xf32, #tpu.memory_space<hbm>> -> memref<400000x128xf32, #tpu.memory_space<hbm>>
    tpu.enqueue_indirect_dma source(%dma_start3A_290 : memref<400000x128xf32, #tpu.memory_space<hbm>>) target(%dma_start3A_285 : memref<128x128xf32, #tpu.memory_space<vmem>>) offsets(%dma_start3A_287 : memref<128xi32, #tpu.memory_space<vmem>>) semaphore(%arg14 : memref<!tpu.dma_semaphore, #tpu.memory_space<semaphore_mem>>) {add = true}
    %dma_wait3A_291 = arith.constant 0 : i32
    %dma_wait3A_292 = arith.constant 0 : i32
    %dma_wait3A_293 = arith.constant 0 : i32
    %dma_wait3A_294 = tpu.memref_slice %arg10[%dma_wait3A_291, %dma_wait3A_292, %dma_wait3A_293] : memref<2x128x128xf32, #tpu.memory_space<vmem>> -> memref<1x128x128xf32, #tpu.memory_space<vmem>>
    %dma_wait3A_295 = tpu.memref_squeeze %dma_wait3A_294 : memref<1x128x128xf32, #tpu.memory_space<vmem>> -> memref<128x128xf32, #tpu.memory_space<vmem>>
    %dma_wait3A_296 = arith.constant 0 : i32
    %dma_wait3A_297 = tpu.memref_slice %arg9[%dma_wait3A_296] : memref<256xi32, #tpu.memory_space<vmem>> -> memref<128xi32, #tpu.memory_space<vmem>>
    %dma_wait3A_298 = arith.constant 0 : i32
    %dma_wait3A_299 = arith.constant 0 : i32
    %dma_wait3A_300 = tpu.memref_slice %arg5[%dma_wait3A_298, %dma_wait3A_299] : memref<400000x128xf32, #tpu.memory_space<hbm>> -> memref<400000x128xf32, #tpu.memory_space<hbm>>
    tpu.wait_indirect_dma semaphore(%arg14 : memref<!tpu.dma_semaphore, #tpu.memory_space<semaphore_mem>>) src(%dma_wait3A_300 : memref<400000x128xf32, #tpu.memory_space<hbm>>) dst(%dma_wait3A_295 : memref<128x128xf32, #tpu.memory_space<vmem>>)
    %add3A_301 = arith.constant 0 : i32
    %add3A_302 = arith.addi %mul3A_2, %add3A_301 : i32
    %dma_start3A_303 = arith.constant 0 : i32
    %dma_start3A_304 = arith.constant 0 : i32
    %dma_start3A_305 = arith.constant 0 : i32
    %dma_start3A_306 = tpu.memref_slice %arg10[%dma_start3A_303, %dma_start3A_304, %dma_start3A_305] : memref<2x128x128xf32, #tpu.memory_space<vmem>> -> memref<1x128x128xf32, #tpu.memory_space<vmem>>
    %dma_start3A_307 = tpu.memref_squeeze %dma_start3A_306 : memref<1x128x128xf32, #tpu.memory_space<vmem>> -> memref<128x128xf32, #tpu.memory_space<vmem>>
    %dma_start3A_308 = arith.constant 0 : i32
    %dma_start3A_309 = tpu.memref_slice %arg6[%add3A_302, %dma_start3A_308] : memref<8192x128xf32, #tpu.memory_space<hbm>> -> memref<128x128xf32, #tpu.memory_space<hbm>>
    %dma_start3A_310 = arith.constant 0 : i32
    %dma_start3A_311 = tpu.memref_slice %arg6[%add3A_302, %dma_start3A_310] : memref<8192x128xf32, #tpu.memory_space<hbm>> -> memref<128x128xf32, #tpu.memory_space<hbm>>
    %dma_start3A_312 = arith.constant 0 : i32
    %dma_start3A_313 = arith.constant 0 : i32
    %dma_start3A_314 = tpu.memref_slice %arg10[%dma_start3A_303, %dma_start3A_312, %dma_start3A_313] : memref<2x128x128xf32, #tpu.memory_space<vmem>> -> memref<1x128x128xf32, #tpu.memory_space<vmem>>
    %dma_start3A_315 = tpu.memref_squeeze %dma_start3A_314 : memref<1x128x128xf32, #tpu.memory_space<vmem>> -> memref<128x128xf32, #tpu.memory_space<vmem>>
    tpu.enqueue_dma source(%dma_start3A_315 : memref<128x128xf32, #tpu.memory_space<vmem>>) target(%dma_start3A_311 : memref<128x128xf32, #tpu.memory_space<hbm>>) target_semaphore(%arg15 : memref<!tpu.dma_semaphore, #tpu.memory_space<semaphore_mem>>)
    %dma_wait3A_316 = arith.constant 1 : i32
    %dma_wait3A_317 = arith.constant 0 : i32
    %dma_wait3A_318 = arith.constant 0 : i32
    %dma_wait3A_319 = tpu.memref_slice %arg10[%dma_wait3A_316, %dma_wait3A_317, %dma_wait3A_318] : memref<2x128x128xf32, #tpu.memory_space<vmem>> -> memref<1x128x128xf32, #tpu.memory_space<vmem>>
    %dma_wait3A_320 = tpu.memref_squeeze %dma_wait3A_319 : memref<1x128x128xf32, #tpu.memory_space<vmem>> -> memref<128x128xf32, #tpu.memory_space<vmem>>
    %dma_wait3A_321 = arith.constant 128 : i32
    %dma_wait3A_322 = tpu.memref_slice %arg9[%dma_wait3A_321] : memref<256xi32, #tpu.memory_space<vmem>> -> memref<128xi32, #tpu.memory_space<vmem>>
    %dma_wait3A_323 = arith.constant 0 : i32
    %dma_wait3A_324 = arith.constant 0 : i32
    %dma_wait3A_325 = tpu.memref_slice %arg5[%dma_wait3A_323, %dma_wait3A_324] : memref<400000x128xf32, #tpu.memory_space<hbm>> -> memref<400000x128xf32, #tpu.memory_space<hbm>>
    tpu.wait_indirect_dma semaphore(%arg14 : memref<!tpu.dma_semaphore, #tpu.memory_space<semaphore_mem>>) src(%dma_wait3A_325 : memref<400000x128xf32, #tpu.memory_space<hbm>>) dst(%dma_wait3A_320 : memref<128x128xf32, #tpu.memory_space<vmem>>)
    %add3A_326 = arith.constant 128 : i32
    %add3A_327 = arith.addi %mul3A_2, %add3A_326 : i32
    %dma_start3A_328 = arith.constant 1 : i32
    %dma_start3A_329 = arith.constant 0 : i32
    %dma_start3A_330 = arith.constant 0 : i32
    %dma_start3A_331 = tpu.memref_slice %arg10[%dma_start3A_328, %dma_start3A_329, %dma_start3A_330] : memref<2x128x128xf32, #tpu.memory_space<vmem>> -> memref<1x128x128xf32, #tpu.memory_space<vmem>>
    %dma_start3A_332 = tpu.memref_squeeze %dma_start3A_331 : memref<1x128x128xf32, #tpu.memory_space<vmem>> -> memref<128x128xf32, #tpu.memory_space<vmem>>
    %dma_start3A_333 = arith.constant 0 : i32
    %dma_start3A_334 = tpu.memref_slice %arg6[%add3A_327, %dma_start3A_333] : memref<8192x128xf32, #tpu.memory_space<hbm>> -> memref<128x128xf32, #tpu.memory_space<hbm>>
    %dma_start3A_335 = arith.constant 0 : i32
    %dma_start3A_336 = tpu.memref_slice %arg6[%add3A_327, %dma_start3A_335] : memref<8192x128xf32, #tpu.memory_space<hbm>> -> memref<128x128xf32, #tpu.memory_space<hbm>>
    %dma_start3A_337 = arith.constant 0 : i32
    %dma_start3A_338 = arith.constant 0 : i32
    %dma_start3A_339 = tpu.memref_slice %arg10[%dma_start3A_328, %dma_start3A_337, %dma_start3A_338] : memref<2x128x128xf32, #tpu.memory_space<vmem>> -> memref<1x128x128xf32, #tpu.memory_space<vmem>>
    %dma_start3A_340 = tpu.memref_squeeze %dma_start3A_339 : memref<1x128x128xf32, #tpu.memory_space<vmem>> -> memref<128x128xf32, #tpu.memory_space<vmem>>
    tpu.enqueue_dma source(%dma_start3A_340 : memref<128x128xf32, #tpu.memory_space<vmem>>) target(%dma_start3A_336 : memref<128x128xf32, #tpu.memory_space<hbm>>) target_semaphore(%arg15 : memref<!tpu.dma_semaphore, #tpu.memory_space<semaphore_mem>>)
    %dma_wait3A_341 = arith.constant 0 : i32
    %dma_wait3A_342 = arith.constant 0 : i32
    %dma_wait3A_343 = arith.constant 0 : i32
    %dma_wait3A_344 = tpu.memref_slice %arg10[%dma_wait3A_341, %dma_wait3A_342, %dma_wait3A_343] : memref<2x128x128xf32, #tpu.memory_space<vmem>> -> memref<1x128x128xf32, #tpu.memory_space<vmem>>
    %dma_wait3A_345 = tpu.memref_squeeze %dma_wait3A_344 : memref<1x128x128xf32, #tpu.memory_space<vmem>> -> memref<128x128xf32, #tpu.memory_space<vmem>>
    %dma_wait3A_346 = arith.constant 0 : i32
    %dma_wait3A_347 = tpu.memref_slice %arg6[%add3A_302, %dma_wait3A_346] : memref<8192x128xf32, #tpu.memory_space<hbm>> -> memref<128x128xf32, #tpu.memory_space<hbm>>
    %dma_wait3A_348 = arith.constant 0 : i32
    %dma_wait3A_349 = tpu.memref_slice %arg6[%add3A_302, %dma_wait3A_348] : memref<8192x128xf32, #tpu.memory_space<hbm>> -> memref<128x128xf32, #tpu.memory_space<hbm>>
    %dma_wait3A_350 = arith.constant 0 : i32
    %dma_wait3A_351 = arith.constant 0 : i32
    %dma_wait3A_352 = tpu.memref_slice %arg10[%dma_wait3A_341, %dma_wait3A_350, %dma_wait3A_351] : memref<2x128x128xf32, #tpu.memory_space<vmem>> -> memref<1x128x128xf32, #tpu.memory_space<vmem>>
    %dma_wait3A_353 = tpu.memref_squeeze %dma_wait3A_352 : memref<1x128x128xf32, #tpu.memory_space<vmem>> -> memref<128x128xf32, #tpu.memory_space<vmem>>
    tpu.wait_dma2 semaphore(%arg15 : memref<!tpu.dma_semaphore, #tpu.memory_space<semaphore_mem>>) src(%dma_wait3A_353 : memref<128x128xf32, #tpu.memory_space<vmem>>) dst(%dma_wait3A_349 : memref<128x128xf32, #tpu.memory_space<hbm>>)
    %dma_wait3A_354 = arith.constant 1 : i32
    %dma_wait3A_355 = arith.constant 0 : i32
    %dma_wait3A_356 = arith.constant 0 : i32
    %dma_wait3A_357 = tpu.memref_slice %arg10[%dma_wait3A_354, %dma_wait3A_355, %dma_wait3A_356] : memref<2x128x128xf32, #tpu.memory_space<vmem>> -> memref<1x128x128xf32, #tpu.memory_space<vmem>>
    %dma_wait3A_358 = tpu.memref_squeeze %dma_wait3A_357 : memref<1x128x128xf32, #tpu.memory_space<vmem>> -> memref<128x128xf32, #tpu.memory_space<vmem>>
    %dma_wait3A_359 = arith.constant 0 : i32
    %dma_wait3A_360 = tpu.memref_slice %arg6[%add3A_327, %dma_wait3A_359] : memref<8192x128xf32, #tpu.memory_space<hbm>> -> memref<128x128xf32, #tpu.memory_space<hbm>>
    %dma_wait3A_361 = arith.constant 0 : i32
    %dma_wait3A_362 = tpu.memref_slice %arg6[%add3A_327, %dma_wait3A_361] : memref<8192x128xf32, #tpu.memory_space<hbm>> -> memref<128x128xf32, #tpu.memory_space<hbm>>
    %dma_wait3A_363 = arith.constant 0 : i32
    %dma_wait3A_364 = arith.constant 0 : i32
    %dma_wait3A_365 = tpu.memref_slice %arg10[%dma_wait3A_354, %dma_wait3A_363, %dma_wait3A_364] : memref<2x128x128xf32, #tpu.memory_space<vmem>> -> memref<1x128x128xf32, #tpu.memory_space<vmem>>
    %dma_wait3A_366 = tpu.memref_squeeze %dma_wait3A_365 : memref<1x128x128xf32, #tpu.memory_space<vmem>> -> memref<128x128xf32, #tpu.memory_space<vmem>>
    tpu.wait_dma2 semaphore(%arg15 : memref<!tpu.dma_semaphore, #tpu.memory_space<semaphore_mem>>) src(%dma_wait3A_366 : memref<128x128xf32, #tpu.memory_space<vmem>>) dst(%dma_wait3A_362 : memref<128x128xf32, #tpu.memory_space<hbm>>)
    return
  }
}

</mosaic_0001>

<sc_bundles>
// kernel: _run.3.cloned.1.call-start
scs
__scs_entry_jumppad:
0x0: {  	(pc) =	sbr.rel $0x88, $3  }
0x1: {  	(tag) =	ssettag $0x0;
	lr =	simm.s32 $0x1  }
0x2: {  	[smem:$0x3F9D] =	sst lr;
	_ =	strace $0xD0000000  }
0x3: {  	_ = 	snop  }
0x4: {  	_ = 	snop  }
0x5: {  	_ = 	snop  }
0x6: {  	_ = 	snop  }
0x7: {  	_ = 	snop  }
__scs_overlays_trampoline_lowered:
0x8: {  	[smem:$0x3FAC] =	sst s0  }
0x9: {  	[smem:$0x3FAD] =	sst s1  }
0xa: {  	[smem:$0x3FAE] =	sst s2  }
0xb: {  	[smem:$0x3FAF] =	sst s3  }
0xc: {  	[smem:$0x3FB0] =	sst s4  }
0xd: {  	[smem:$0x3FB1] =	sst s5  }
0xe: {  	[smem:$0x3FB2] =	sst s6  }
0xf: {  	[smem:$0x3FB3] =	sst s7  }
0x10: {  	[smem:$0x3FB4] =	sst s8  }
0x11: {  	[smem:$0x3FB5] =	sst s9;
	s0 =	simm.s32 @!p0 $0x0  }
0x12: {  	s1 =	sld [smem:$0x3F9B];
	s0 =	simm.s32 @p0 $0x1  }
0x13: {  	[smem:$0x3FB6] =	sst s0;
	s0 =	simm.s32 @!p1 $0x0  }
0x14: {  	s2 =	sld [smem:$0x3F9A];
	s0 =	simm.s32 @p1 $0x1  }
0x15: {  	[smem:$0x3FB7] =	sst s0;
	s0 =	simm.s32 @!p2 $0x0  }
0x16: {  	s3 =	sld [smem:$0x3FDB];
	s0 =	simm.s32 @p2 $0x1  }
0x17: {  	s4 =	simm.s32 $0x1BF5;
	[smem:$0x3FB9] =	sst s0  }
0x18: {  	s0 =	sld [smem:$0x3F9C];
	_ =	swait.ge [sflag:s4], $0x0  }
0x19: {  	s7 =	sld [smem:$0x3F9D]  }
0x1a: {  	s8 =	sadd.s32 $0xFFFFE003, lr  }
0x1b: {  	s9 =	sadd.s32 $0xFFFFFEF7, lr;
	s5 =	simm.s32 $0xFFFFFFFF;
	p2 =	slt.u32 s8, $0xFFFFF086  }
0x1c: {  	p1 =	slt.u32 s9, $0xF7A;
	s5 =	simm.s32 @!p2 $0x0  }
0x1d: {  	s5 =	simm.s32 @p1 $0x1;
	p0 =	seq.s32 s7, s2  }
0x1e: {  	s7 =	smul.u32 @!p0 $0xF7A, s2;
	p2 =	seq.s32 @!p0 s5, $0x0  }
0x1f: {  	s9 =	smul.u32 $0xF7A, s1;
	s8 =	simm.s32 @!p0 $0x1BF5;
	p2 =	por !p2, p0  }
0x20: {  	[sflag:s8] =	ssyncset.s32 @!p0 $0xFFFFF086;
	s6 =	sadd.s32 @!p0 s3, s7;
	s7 =	simm.s32 @!p0 $0x108  }
0x21: {  	s3 =	sadd.s32 s3, s9;
	s6 =	sadd.s32 @!p0 $0x88, s6;
	s7 =	simm.s32 @p2 $0x1082  }
0x22: {  	[simem:s7], [sflag:s8] =	dma.local @!p0 [hbm:s6], $0xF7A  }
0x23: {  	s9 =	sor.u32 $0xD0000000, s2;
	s6 =	simm.s32 $0x108;
	_ =	swait.ge @!p0 [sflag:s8], $0x0  }
0x24: {  	s3 =	sadd.s32 $0x88, s3;
	s6 =	simm.s32 @!p1 $0x1082;
	[sflag:s4] =	ssyncset.s32 $0xFFFFF086  }
0x25: {  	[simem:s6], [sflag:s4] =	dma.local [hbm:s3], $0xF7A  }
0x26: {  	[smem:$0x3F9D] =	sst s1;
	(tag) =	ssettag s2;
	_ =	strace s9  }
0x27: {  	s1 =	sld [smem:$0x3FAD]  }
0x28: {  	s2 =	sld [smem:$0x3FAE]  }
0x29: {  	s4 =	sld [smem:$0x3FB0]  }
0x2a: {  	p0 =	seq.s32 s5, $0x0;
	s5 =	sld [smem:$0x3FB1]  }
0x2b: {  	s6 =	sld [smem:$0x3FB2]  }
0x2c: {  	s7 =	sld [smem:$0x3FB3]  }
0x2d: {  	s3 =	simm.s32 $0x108;
	s8 =	sld [smem:$0x3FB4]  }
0x2e: {  	s3 =	simm.s32 @!p0 $0x1082;
	s9 =	sld [smem:$0x3FB5]  }
0x2f: {  	lr =	sadd.s32 s0, s3;
	s0 =	sld [smem:$0x3FAC]  }
0x30: {  	s3 =	sld [smem:$0x3FAF]  }
0x31: {  	[smem:$0x3FB8] =	sst s10  }
0x32: {  	s10 =	sld [smem:$0x3FB6];
	_ =	sdelay $0x3  }
0x33: {  	p0 =	seq.s32 s10, $0x1;
	s10 =	sld [smem:$0x3FB8];
	_ =	sdelay $0x3  }
0x34: {  	[smem:$0x3FB8] =	sst s10  }
0x35: {  	s10 =	sld [smem:$0x3FB7];
	_ =	sdelay $0x3  }
0x36: {  	p1 =	seq.s32 s10, $0x1;
	s10 =	sld [smem:$0x3FB8];
	_ =	sdelay $0x3  }
0x37: {  	[smem:$0x3FB8] =	sst s10  }
0x38: {  	s10 =	sld [smem:$0x3FB9]  }
0x39: {  	_ = 	snop;
	(pc) =	sbr.ind lr, $3  }
0x3a: {  	_ = 	snop  }
0x3b: {  	_ = 	snop  }
0x3c: {  	p2 =	seq.s32 s10, $0x1;
	s10 =	sld [smem:$0x3FB8]  }
0x3d: {  	_ =	shalt  }
0x3e: {  	_ =	shalt  }
0x3f: {  	_ =	shalt  }
0x40: {  	_ =	shalt  }
0x41: {  	_ =	shalt  }
0x42: {  	_ =	shalt  }
0x43: {  	_ =	shalt  }
0x44: {  	_ =	shalt  }
0x45: {  	_ =	shalt  }
0x46: {  	_ =	shalt  }
0x47: {  	_ =	shalt  }
0x48: {  	_ =	shalt  }
0x49: {  	_ =	shalt  }
0x4a: {  	_ =	shalt  }
0x4b: {  	_ =	shalt  }
0x4c: {  	_ =	shalt  }
0x4d: {  	_ =	shalt  }
0x4e: {  	_ =	shalt  }
0x4f: {  	_ =	shalt  }
0x50: {  	_ =	shalt  }
0x51: {  	_ =	shalt  }
0x52: {  	_ =	shalt  }
0x53: {  	_ =	shalt  }
0x54: {  	_ =	shalt  }
0x55: {  	_ =	shalt  }
0x56: {  	_ =	shalt  }
0x57: {  	_ =	shalt  }
0x58: {  	_ =	shalt  }
0x59: {  	_ =	shalt  }
0x5a: {  	_ =	shalt  }
0x5b: {  	_ =	shalt  }
0x5c: {  	_ =	shalt  }
0x5d: {  	_ =	shalt  }
0x5e: {  	_ =	shalt  }
0x5f: {  	_ =	shalt  }
0x60: {  	_ =	shalt  }
0x61: {  	_ =	shalt  }
0x62: {  	_ =	shalt  }
0x63: {  	_ =	shalt  }
0x64: {  	_ =	shalt  }
0x65: {  	_ =	shalt  }
0x66: {  	_ =	shalt  }
0x67: {  	_ =	shalt  }
0x68: {  	_ =	shalt  }
0x69: {  	_ =	shalt  }
0x6a: {  	_ =	shalt  }
0x6b: {  	_ =	shalt  }
0x6c: {  	_ =	shalt  }
0x6d: {  	_ =	shalt  }
0x6e: {  	_ =	shalt  }
0x6f: {  	_ =	shalt  }
0x70: {  	_ =	shalt  }
0x71: {  	_ =	shalt  }
0x72: {  	_ =	shalt  }
0x73: {  	_ =	shalt  }
0x74: {  	_ =	shalt  }
0x75: {  	_ =	shalt  }
0x76: {  	_ =	shalt  }
0x77: {  	_ =	shalt  }
0x78: {  	_ =	shalt  }
0x79: {  	_ =	shalt  }
0x7a: {  	_ =	shalt  }
0x7b: {  	_ =	shalt  }
0x7c: {  	_ =	shalt  }
0x7d: {  	_ =	shalt  }
0x7e: {  	_ =	shalt  }
0x7f: {  	_ =	shalt  }
0x80: {  	_ =	shalt  }
0x81: {  	_ =	shalt  }
0x82: {  	_ =	shalt  }
0x83: {  	_ =	shalt  }
0x84: {  	_ =	shalt  }
0x85: {  	_ =	shalt  }
0x86: {  	_ =	shalt  }
0x87: {  	_ =	shalt  }
.Lfunc_end0:
.L_simem_size_0:
called_computation_lowered:
.L_overlay_start_0:
0x88: {  	s2 =	sld [smem:$0x3FD9]  }
0x89: {  	s3 =	sld [smem:$0x3FFE];
	_ =	sdelay $0x1  }
0x8a: {  	s1 =	srdreg.scid  }
0x8b: {  	s0 =	sand.u32 $0x1, s1  }
0x8c: {  	s18 =	sshll.u32 s0, $0xA;
	s2 =	sadd.s32 s3, s2  }
0x8d: {  	s2 =	sadd.s32 s2, s18  }
0x8e: {  	[smem:$0x3FC4] =	sst s2  }
0x8f: {  	_ = 	snop  }
0x90: {  	s2 =	sld [smem:$0x3FC9]  }
0x91: {  	s19 =	sld [smem:$0x3FC8]  }
0x92: {  	s4 =	sld [smem:$0x3FC7]  }
0x93: {  	s5 =	sld [smem:$0x3FC6]  }
0x94: {  	s6 =	sld [smem:$0x3FD0];
	(tm) =	ssettm $0x1  }
0x95: {  	s7 =	sld [smem:$0x3FFB];
	_ =	sdelay $0x3  }
0x96: {  	_ =	strace s7  }
0x97: {  	s7 =	sld [smem:$0x3FFC];
	_ =	sdelay $0x3  }
0x98: {  	_ =	strace s7  }
0x99: {  	s7 =	sld [smem:$0x3FFD];
	_ =	sdelay $0x3  }
0x9a: {  	_ =	strace s7  }
0x9b: {  	_ =	strace $0x8FFFFFFF  }
0x9c: {  	s20 =	sld [smem:$0x3FDB];
	_ =	sdelay $0x1  }
0x9d: {  	s8 =	simm.s32 $_scs_section_size  }
0x9e: {  	s9 =	simm.s32 $_size__tile_overlayer_lowered;
	s10 =	simm.s32 $_tile_overlayer_lowered  }
0x9f: {  	s23 =	simm.s32 $0x1BFF;
	s22 =	sshll.u32 s10, $0x1;
	s7 =	sadd.s32 s8, s20  }
0xa0: {  	s11 =	simm.s32 $0x0;
	s21 =	sshll.u32 s9, $0x1;
	s9 =	sadd.s32 s22, s7  }
0xa1: {  	[timem:s11], [sflag:s23] =	dma.local [hbm:s9], s21  }
0xa2: {  	_ =	swait.ge [sflag:s23], s21  }
0xa3: {  	s8 =	ssub.s32 $0x0, s21;
	[sflag:s23] =	ssyncset.done $0x0  }
0xa4: {  	[sflag:s23] =	ssyncadd.s32 s8;
	_ =	sdelay $0x1  }
0xa5: {  	s24 =	simm.s32 $0x1B8B  }
0xa6: {  	_ =	swait.ge [sflag:s24], $0x1  }
0xa7: {  	[sflag:s24] =	ssyncset.done $0x0  }
0xa8: {  	s25 =	simm.s32 $0x1B8E;
	[sflag:s24] =	ssyncadd.s32 $0xFFFFFFFF  }
0xa9: {  	s26 =	simm.s32 $execute0_lowered;
	[smem:$0x3FD2] =	sst s25  }
0xaa: {  	s8 =	sshll.u32 s26, $0x1;
	_ =	strace $0x80000046;
	[dreg:$0x1] =	wrdreg $0xFFFFFFFF  }
0xab: {  	s28 =	simm.s32 $_size_execute0_lowered;
	s7 =	sadd.s32 s7, s8;
	[dreg:$0x0] =	wrdreg $0x0  }
0xac: {  	s8 =	sshll.u32 s28, $0x1;
	[dreg:$0x2] =	wrdreg s7  }
0xad: {  	[dreg:$0x3] =	wrdreg s8  }
0xae: {  	[dreg:$0x4] =	wrdreg $0xC0  }
0xaf: {  	_ =	task [dreg:s11], $0x5FFFF  }
0xb0: {  	[dreg:$0x1] =	wrdreg $0xFFFFFFFF  }
0xb1: {  	[dreg:$0x0] =	wrdreg $0x60  }
0xb2: {  	[dreg:$0x2] =	wrdreg s2  }
0xb3: {  	[dreg:$0x3] =	wrdreg s19  }
0xb4: {  	[dreg:$0x4] =	wrdreg s4  }
0xb5: {  	[dreg:$0x5] =	wrdreg s5  }
0xb6: {  	[dreg:$0x6] =	wrdreg s6  }
0xb7: {  	[dreg:$0x7] =	wrdreg $0x9  }
0xb8: {  	_ =	task.clear_ibuf [dreg:s11], $0x8FFFF;
	_ =	strace $0x90000046  }
0xb9: {  	s29 =	simm.s32 $0x9;
	_ =	strace $0x80000048  }
0xba: {  	_ =	swait.ge [sflag:s29], $0x1  }
0xbb: {  	[sflag:s29] =	ssyncadd.s32 $0xFFFFFFFF  }
0xbc: {  	_ =	strace $0x90000048  }
0xbd: {  	_ =	sfence  }
0xbe: {  	s30 =	sld [smem:$0x0];
	_ =	sdelay $0x2  }
0xbf: {  	s31 =	sshll.u32 s1, $0xD;
	s1 =	sshrl.u32 s1, $0x2  }
0xc0: {  	s3 =	sand.u32 $0x4000, s31;
	s1 =	sadd.s32 s1, s30  }
0xc1: {  	s0 =	sor.u32 s3, s0;
	s1 =	sshll.u32 s1, $0x11  }
0xc2: {  	s0 =	sor.u32 s1, s0  }
0xc3: {  	s0 =	sadd.s32 $0x8F2B, s0  }
0xc4: {  	[sflag:s0] =	ssyncadd.remote.s32 $0x1  }
0xc5: {  	_ =	sfence.sel $0xFFFF  }
0xc6: {  	[dreg:$0x0] =	wrdreg $0xFFFFFFFF;
	(pc) =	sbr.abs _section_cstart, $3  }
0xc7: {  	[dreg:$0x1] =	wrdreg $0xFFFFFFFF  }
0xc8: {  	_ =	task.clear_ibuf [dreg:s11], $0x2FFFF;
	_ =	strace $0x9FFFFFFF  }
0xc9: {  	(tm) =	ssettm $0x7FFFFFFF  }
tec
execute0_lowered:
.L_overlay_start_1:
0x0: {  	(tag) =	ssettag $0x1  }
0x1: {  	s4 =	rddreg [dreg:$0x0]  }
0x2: {  	s5 =	rddreg [dreg:$0x1];
	s1 =	srdreg.scid  }
0x3: {  	s7 =	rddreg [dreg:$0x2];
	s0 =	stileid.u32;
	s13 =	sand.u32 $0x1, s1  }
0x4: {  	s3 =	rddreg [dreg:$0x3];
	s6 =	sshll.u32 s0, $0x9;
	s8 =	sshll.u32 s13, $0x8  }
0x5: {  	s12 =	rddreg [dreg:$0x4];
	s2 =	simm.s32 $0x0;
	s15 =	sor.u32 s8, s6  }
0x6: {  	[smem:$0x7FF] =	sst s2;
	s6 =	sshrl.u32 s15, $0x3  }
0x7: {  	s1 =	rddreg [dreg:$0x5];
	_ =	strace $0x80000047;
	s8 =	sadd.s32 s4, s6  }
0x8: {  	[tilespmem:s2], [sflag:$0x1] =	stream.linear.gather [hbm4b:s8+s2], $0x100, $0x38;
	[tilespmem:$0x8300] =	vst v63  }
0x9: {  	s10 =	simm.s32 $0x100;
	s11 =	simm.s32 $0x1;
	s9 =	sadd.s32 s5, s6  }
0xa: {  	[tilespmem:s10], [sflag:$0x2] =	stream.linear.gather [hbm4b:s9+s2], $0x100, $0x38;
	[tilespmem:$0x8300] =	vst v63  }
0xb: {  	_ =	swait.ge [sflag:s11], $0x100  }
0xc: {  	[sflag:s11] =	ssyncset.done $0x0  }
0xd: {  	s6 =	simm.s32 $0x80;
	s5 =	simm.s32 $0x300;
	[sflag:s11] =	ssyncadd.s32 $0xFFFFFF00  }
0xe: {  	[tilespmem:s5], [sflag:$0x3] =	stream.indirect.gather [hbm4b:s7+s6], $0x80, s2, s6, $0xb8;
	[tilespmem:$0x8300] =	vst v63  }
0xf: {  	s14 =	simm.s32 $0x2;
	s4 =	simm.s32 $0x4300  }
0x10: {  	[tilespmem:s4], [sflag:$0x3] =	stream.indirect.gather [hbm4b:s7+s6], $0x80, s6, s6, $0xb8;
	[tilespmem:$0x8300] =	vst v63  }
0x11: {  	_ =	swait.ge [sflag:s14], $0x100  }
0x12: {  	[sflag:s14] =	ssyncset.done $0x0  }
0x13: {  	[sflag:s14] =	ssyncadd.s32 $0xFFFFFF00  }
0x14: {  	v1 =	vld [tilespmem:$0xC0]  }
0x15: {  	v0 =	vld [tilespmem:$0xD0]  }
0x16: {  	v2 =	vld [tilespmem:$0xB0]  }
0x17: {  	v3 =	vld [tilespmem:$0x1B0]  }
0x18: {  	v4 =	vld [tilespmem:$0xA0]  }
0x19: {  	v5 =	vld [tilespmem:$0x90]  }
0x1a: {  	v6 =	vld [tilespmem:$0x80]  }
0x1b: {  	v7 =	vld [tilespmem:$0x1A0]  }
0x1c: {  	v8 =	vld [tilespmem:$0x70]  }
0x1d: {  	v9 =	vld [tilespmem:$0x190]  }
0x1e: {  	v10 =	vld [tilespmem:$0x60]  }
0x1f: {  	v11 =	vld [tilespmem:$0x180]  }
0x20: {  	v12 =	vld [tilespmem:$0x50]  }
0x21: {  	v13 =	vld [tilespmem:$0x170]  }
0x22: {  	v14 =	vld [tilespmem:$0x40]  }
0x23: {  	s13 =	ssub.s32 $0x2, s13;
	v15 =	vld [tilespmem:$0x160]  }
0x24: {  	s16 =	sshrl.u32 s13, $0x1;
	v16 =	vld [tilespmem:$0x150];
	v7 =	vmul.u32 $0x186A0, v7  }
0x25: {  	s16 =	ssub.s32 s13, s16;
	v17 =	vld [tilespmem:$0x140];
	v9 =	vmul.u32 $0x186A0, v9  }
0x26: {  	s20 =	smax.u32 s16, $0x1;
	v18 =	vld [tilespmem:$0x130];
	v4 =	vadd.s32 v4, v7;
	v7 =	vmul.u32 $0x186A0, v11  }
0x27: {  	p0 =	sne.s32 s20, $0x1;
	v5 =	vadd.s32 v5, v9;
	v9 =	vmul.u32 $0x186A0, v13;
	v11 =	vld [tilespmem:$0x1C0];
	[tilespmem:$0x2A0] =	vst v4  }
.Ltmp0:
0x28: {  	v4 =	vld [tilespmem:$0x120];
	[tilespmem:$0x290] =	vst v5;
	v5 =	vadd.s32 v6, v7;
	v6 =	vmul.u32 $0x186A0, v15;
	(pc) =	sbr.rel @!p0 .LBB2_2-.Ltmp0, $4  }
0x29: {  	v7 =	vld [tilespmem:$0x1F0];
	v8 =	vadd.s32 v8, v9;
	v9 =	vmul.u32 $0x186A0, v16;
	[tilespmem:$0x280] =	vst v5  }
0x2a: {  	s19 =	simm.s32 $0x200;
	s18 =	simm.s32 $0x280;
	s15 =	sshll.u32 s15, $0x4;
	v63 =	vmul.u32 $0x186A0, v17;
	v5 =	vld [tilespmem:$0x110];
	[tilespmem:$0x270] =	vst v8;
	v6 =	vadd.s32 v10, v6  }
0x2b: {  	s17 =	simm.s32 $0x4;
	s12 =	sadd.s32 s12, s15;
	s16 =	simm.s32 $0x3;
	v8 =	vld [tilespmem:$0x1E0];
	v12 =	vadd.s32 v12, v9;
	[tilespmem:$0x260] =	vst v6  }
0x2c: {  	s15 =	simm.s32 $0x5;
	s13 =	sadd.s32 $0x800, s12;
	s20 =	sadd.s32 $0xFFFFFFFF, s20;
	v9 =	vld [tilespmem:$0x100];
	v10 =	vadd.s32 v14, v63;
	v6 =	vmul.u32 $0x186A0, v18;
	[tilespmem:$0x250] =	vst v12  }
.LBB2_1:
0x2d: {  	p0 =	sne.s32 s20, $0x1;
	s20 =	sadd.s32 $0xFFFFFFFF, s20;
	v12 =	vld [tilespmem:$0xF0]  }
0x2e: {  	v3 =	vmul.u32 $0x186A0, v3;
	v13 =	vld [tilespmem:$0x0]  }
0x2f: {  	v14 =	vld [tilespmem:$0xE0]  }
0x30: {  	v7 =	vmul.u32 $0x186A0, v7;
	v2 =	vadd.s32 v2, v3;
	v3 =	vmul.u32 $0x186A0, v11;
	v11 =	vld [tilespmem:$0x1D0]  }
0x31: {  	v9 =	vmul.u32 $0x186A0, v9;
	v15 =	vld [tilespmem:$0x20];
	[tilespmem:$0x2B0] =	vst v2  }
0x32: {  	v2 =	vld [tilespmem:$0x10];
	[tilespmem:$0x240] =	vst v10;
	v1 =	vadd.s32 v1, v3;
	v3 =	vmul.u32 $0x186A0, v8;
	v7 =	vadd.s32 v12, v7  }
0x33: {  	v8 =	vadd.s32 v13, v9;
	v9 =	vld [tilespmem:$0x30];
	[tilespmem:$0x2C0] =	vst v1  }
0x34: {  	v1 =	vmul.u32 $0x186A0, v4;
	v3 =	vadd.s32 v14, v3;
	[tilespmem:$0x2F0] =	vst v7  }
0x35: {  	v4 =	vmul.u32 $0x186A0, v5;
	v5 =	vmul.u32 $0x186A0, v11;
	[tilespmem:$0x2E0] =	vst v3  }
0x36: {  	[tilespmem:$0x200] =	vst v8;
	v1 =	vadd.s32 v15, v1  }
0x37: {  	v2 =	vadd.s32 v2, v4;
	[tilespmem:$0x220] =	vst v1;
	v0 =	vadd.s32 v0, v5  }
0x38: {  	[tilespmem:$0x2D0] =	vst v0  }
0x39: {  	v0 =	vadd.s32 v9, v6;
	[tilespmem:$0x210] =	vst v2  }
0x3a: {  	[tilespmem:$0x230] =	vst v0  }
0x3b: {  	_ =	swait.ge [sflag:s16], $0x4000  }
0x3c: {  	[sflag:s16] =	ssyncset.done $0x0  }
0x3d: {  	[sflag:s16] =	ssyncadd.s32 $0xFFFFC000  }
0x3e: {  	[tilespmem:s5], [sflag:$0x4] =	stream.indirect.gather.add.f32 [hbm:s3], $0x80, s19, s6, $0xb8;
	[tilespmem:$0x8300] =	vst v63  }
0x3f: {  	_ =	swait.ge [sflag:s16], $0x4000  }
0x40: {  	[sflag:s16] =	ssyncset.done $0x0  }
0x41: {  	[sflag:s16] =	ssyncadd.s32 $0xFFFFC000  }
0x42: {  	[tilespmem:s4], [sflag:$0x4] =	stream.indirect.gather.add.f32 [hbm:s3], $0x80, s18, s6, $0xb8;
	[tilespmem:$0x8300] =	vst v63  }
0x43: {  	_ =	swait.ge [sflag:s17], $0x4000  }
0x44: {  	[sflag:s17] =	ssyncset.done $0x0  }
0x45: {  	[sflag:s17] =	ssyncadd.s32 $0xFFFFC000  }
0x46: {  	[hbm4b:s12+s2] =	stream.linear.scatter [tilespmem:s5], [sflag:$0x5], $0x4000, $0x38;
	[tilespmem:$0x8300] =	vst v63  }
0x47: {  	_ =	swait.ge [sflag:s17], $0x4000  }
0x48: {  	[sflag:s17] =	ssyncset.done $0x0  }
0x49: {  	[sflag:s17] =	ssyncadd.s32 $0xFFFFC000  }
0x4a: {  	[hbm4b:s13+s2] =	stream.linear.scatter [tilespmem:s4], [sflag:$0x5], $0x4000, $0x38;
	[tilespmem:$0x8300] =	vst v63  }
0x4b: {  	_ =	swait.ge [sflag:s15], $0x4000  }
0x4c: {  	[sflag:s15] =	ssyncset.done $0x0  }
0x4d: {  	[sflag:s15] =	ssyncadd.s32 $0xFFFFC000  }
0x4e: {  	_ =	swait.ge [sflag:s15], $0x4000  }
0x4f: {  	[sflag:s15] =	ssyncset.done $0x0  }
0x50: {  	[sflag:s15] =	ssyncadd.s32 $0xFFFFC000  }
0x51: {  	[tilespmem:s2], [sflag:$0x1] =	stream.linear.gather [hbm4b:s8+s2], $0x100, $0x38;
	[tilespmem:$0x8300] =	vst v63  }
0x52: {  	_ = 	snop  }
0x53: {  	[tilespmem:s10], [sflag:$0x2] =	stream.linear.gather [hbm4b:s9+s2], $0x100, $0x38;
	[tilespmem:$0x8300] =	vst v63  }
0x54: {  	_ =	swait.ge [sflag:s11], $0x100  }
0x55: {  	[sflag:s11] =	ssyncset.done $0x0  }
0x56: {  	[sflag:s11] =	ssyncadd.s32 $0xFFFFFF00  }
0x57: {  	[tilespmem:s5], [sflag:$0x3] =	stream.indirect.gather [hbm4b:s7+s6], $0x80, s2, s6, $0xb8;
	[tilespmem:$0x8300] =	vst v63  }
0x58: {  	_ = 	snop  }
0x59: {  	[tilespmem:s4], [sflag:$0x3] =	stream.indirect.gather [hbm4b:s7+s6], $0x80, s6, s6, $0xb8;
	[tilespmem:$0x8300] =	vst v63  }
0x5a: {  	_ =	swait.ge [sflag:s14], $0x100  }
0x5b: {  	[sflag:s14] =	ssyncset.done $0x0  }
0x5c: {  	[sflag:s14] =	ssyncadd.s32 $0xFFFFFF00  }
0x5d: {  	v1 =	vld [tilespmem:$0xC0]  }
0x5e: {  	v0 =	vld [tilespmem:$0xD0]  }
0x5f: {  	v2 =	vld [tilespmem:$0xB0]  }
0x60: {  	v3 =	vld [tilespmem:$0x1B0]  }
0x61: {  	v4 =	vld [tilespmem:$0xA0]  }
0x62: {  	v5 =	vld [tilespmem:$0x90]  }
0x63: {  	v6 =	vld [tilespmem:$0x80]  }
0x64: {  	v7 =	vld [tilespmem:$0x1A0]  }
0x65: {  	v8 =	vld [tilespmem:$0x70]  }
0x66: {  	v9 =	vld [tilespmem:$0x190]  }
0x67: {  	v10 =	vld [tilespmem:$0x60]  }
0x68: {  	v11 =	vld [tilespmem:$0x180]  }
0x69: {  	v12 =	vld [tilespmem:$0x50];
	v7 =	vmul.u32 $0x186A0, v7  }
0x6a: {  	v13 =	vld [tilespmem:$0x170]  }
0x6b: {  	v14 =	vld [tilespmem:$0x40];
	v9 =	vmul.u32 $0x186A0, v9;
	v4 =	vadd.s32 v4, v7  }
0x6c: {  	v7 =	vld [tilespmem:$0x160];
	[tilespmem:$0x2A0] =	vst v4  }
0x6d: {  	v15 =	vld [tilespmem:$0x150];
	v4 =	vmul.u32 $0x186A0, v11;
	v5 =	vadd.s32 v5, v9  }
0x6e: {  	v9 =	vld [tilespmem:$0x140];
	[tilespmem:$0x290] =	vst v5  }
0x6f: {  	v11 =	vld [tilespmem:$0x130];
	v5 =	vmul.u32 $0x186A0, v13;
	v6 =	vadd.s32 v6, v4  }
0x70: {  	v4 =	vld [tilespmem:$0x120];
	[tilespmem:$0x280] =	vst v6  }
.Ltmp1:
0x71: {  	v6 =	vmul.u32 $0x186A0, v7;
	v8 =	vadd.s32 v8, v5;
	v7 =	vld [tilespmem:$0x1F0];
	(pc) =	sbr.rel @p0 .LBB2_1-.Ltmp1, $4  }
0x72: {  	v5 =	vld [tilespmem:$0x110];
	v13 =	vmul.u32 $0x186A0, v15;
	[tilespmem:$0x270] =	vst v8  }
0x73: {  	v15 =	vmul.u32 $0x186A0, v9;
	v9 =	vadd.s32 v10, v6;
	v8 =	vld [tilespmem:$0x1E0]  }
0x74: {  	v6 =	vmul.u32 $0x186A0, v11;
	v12 =	vadd.s32 v12, v13;
	[tilespmem:$0x260] =	vst v9;
	v11 =	vld [tilespmem:$0x1C0]  }
0x75: {  	v9 =	vld [tilespmem:$0x100];
	v10 =	vadd.s32 v14, v15;
	[tilespmem:$0x250] =	vst v12  }
.LBB2_2:
0x76: {  	v12 =	vld [tilespmem:$0xF0]  }
0x77: {  	v13 =	vld [tilespmem:$0x0]  }
0x78: {  	v3 =	vmul.u32 $0x186A0, v3;
	v14 =	vld [tilespmem:$0xE0]  }
0x79: {  	v15 =	vld [tilespmem:$0x20];
	v54 =	vmul.u32 $0x186A0, v11  }
0x7a: {  	[tilespmem:$0x240] =	vst v10;
	v59 =	vld [tilespmem:$0x30];
	v7 =	vmul.u32 $0x186A0, v7;
	v2 =	vadd.s32 v2, v3  }
0x7b: {  	v55 =	vld [tilespmem:$0x1D0];
	[tilespmem:$0x2B0] =	vst v2;
	v56 =	vmul.u32 $0x186A0, v8;
	v1 =	vadd.s32 v1, v54  }
0x7c: {  	v58 =	vld [tilespmem:$0x10];
	v4 =	vmul.u32 $0x186A0, v4;
	v7 =	vadd.s32 v12, v7;
	[tilespmem:$0x2C0] =	vst v1  }
0x7d: {  	v2 =	vadd.s32 v14, v56;
	[tilespmem:$0x2F0] =	vst v7  }
0x7e: {  	v57 =	vmul.u32 $0x186A0, v9;
	v62 =	vadd.s32 v15, v4;
	[tilespmem:$0x2E0] =	vst v2  }
0x7f: {  	v61 =	vmul.u32 $0x186A0, v5;
	v63 =	vadd.s32 v59, v6;
	[tilespmem:$0x220] =	vst v62  }
0x80: {  	v60 =	vmul.u32 $0x186A0, v55;
	v3 =	vadd.s32 v13, v57;
	[tilespmem:$0x230] =	vst v63  }
0x81: {  	v2 =	vadd.s32 v58, v61;
	[tilespmem:$0x200] =	vst v3  }
0x82: {  	v0 =	vadd.s32 v0, v60;
	[tilespmem:$0x210] =	vst v2  }
0x83: {  	[tilespmem:$0x2D0] =	vst v0  }
0x84: {  	_ =	swait.ge [sflag:s16], $0x4000  }
0x85: {  	[sflag:s16] =	ssyncset.done $0x0  }
0x86: {  	[sflag:s16] =	ssyncadd.s32 $0xFFFFC000  }
0x87: {  	[tilespmem:s5], [sflag:$0x4] =	stream.indirect.gather.add.f32 [hbm:s3], $0x80, s19, s6, $0xb8;
	[tilespmem:$0x8300] =	vst v63  }
0x88: {  	_ =	swait.ge [sflag:s16], $0x4000  }
0x89: {  	[sflag:s16] =	ssyncset.done $0x0  }
0x8a: {  	[sflag:s16] =	ssyncadd.s32 $0xFFFFC000  }
0x8b: {  	[tilespmem:s4], [sflag:$0x4] =	stream.indirect.gather.add.f32 [hbm:s3], $0x80, s18, s6, $0xb8;
	[tilespmem:$0x8300] =	vst v63  }
0x8c: {  	_ =	swait.ge [sflag:s17], $0x4000  }
0x8d: {  	[sflag:s17] =	ssyncset.done $0x0  }
0x8e: {  	[sflag:s17] =	ssyncadd.s32 $0xFFFFC000  }
0x8f: {  	[hbm4b:s12+s2] =	stream.linear.scatter [tilespmem:s5], [sflag:$0x5], $0x4000, $0x38;
	[tilespmem:$0x8300] =	vst v63  }
0x90: {  	_ =	swait.ge [sflag:s17], $0x4000  }
0x91: {  	[sflag:s17] =	ssyncset.done $0x0  }
0x92: {  	[sflag:s17] =	ssyncadd.s32 $0xFFFFC000  }
0x93: {  	[hbm4b:s13+s2] =	stream.linear.scatter [tilespmem:s4], [sflag:$0x5], $0x4000, $0x38;
	[tilespmem:$0x8300] =	vst v63  }
0x94: {  	_ =	swait.ge [sflag:s15], $0x4000  }
0x95: {  	[sflag:s15] =	ssyncset.done $0x0  }
0x96: {  	[sflag:s15] =	ssyncadd.s32 $0xFFFFC000  }
0x97: {  	_ =	swait.ge [sflag:s15], $0x4000  }
0x98: {  	[sflag:s15] =	ssyncset.done $0x0  }
0x99: {  	[sflag:s15] =	ssyncadd.s32 $0xFFFFC000  }
0x9a: {  	_ =	sfence.sel $0x180000  }
0x9b: {  	[bflag:$0x0] =	sbarrier.arrive $0xFFFF  }
0x9c: {  	p0 =	sne.s32 s0, $0x0;
	_ =	strace $0x90000047  }
0x9d: {  	s0 =	sadd.s32 @!p0 $0x100000, s1;
	[bflag:$0x2] =	sbarrier.arrive $0xFFFF  }
0x9e: {  	[sflag:s0] =	ssyncadd.tile.s32 @!p0 $0x1;
	_ =	shalt  }
.Lfunc_end2:
_tile_overlayer_lowered:
.L_overlay_start_2:
0x9f: {  	(tag) =	ssettag $0x2  }
0xa0: {  	s0 =	rddreg [dreg:$0x0];
	s2 =	stileid.u32  }
0xa1: {  	s1 =	rddreg [dreg:$0x1];
	p0 =	sne.s32 s2, $0x0  }
0xa2: {  	s3 =	rddreg [dreg:$0x2];
	[bflag:$0x3] =	sbarrier.arrive $0xFFFF;
	s2 =	simm.s32 @!p0 $0x1C06  }
0xa3: {  	[timem:s3], [sflag:s2] =	dma.local @!p0 [hbm:s0], s1  }
0xa4: {  	s0 =	simm.s32 @!p0 $0x6  }
0xa5: {  	_ =	swait.ge @!p0 [sflag:s0], s1  }
0xa6: {  	s1 =	ssub.s32 @!p0 $0x0, s1;
	[sflag:s0] =	ssyncset.done @!p0 $0x0  }
0xa7: {  	[sflag:s0] =	ssyncadd.s32 @!p0 s1  }
0xa8: {  	[bflag:$0x3] =	sbarrier.arrive $0xFFFF  }
0xa9: {  	_ =	shalt  }

</sc_bundles>
